<compile_context>
chip_gen: v7x
topology: tpu7x:2x2x1
jax: 0.10.2.dev20260603
libtpu: 0.0.44.dev20260713+nightly
codegen_flags: <defaults>
</compile_context>

<pallas_src>
import functools

import jax
import jax.numpy as jnp
from jax import lax
from jax.experimental import pallas as pl
from jax.experimental.pallas import tpu as pltpu
from jax.experimental.pallas import tpu_sc as plsc

T = 2048
D = 1024
F = 4096
E = 8

TM = 256
FC = 1024
K = F // FC
W = T // TM + E - 1
TP = 2304

GP = 128

_NC = 2
_NS = 16
_NW = _NC * _NS


def _route_body(x_ref, wg_ref, pos_ref, md_ref):
    f32, i32 = jnp.float32, jnp.int32
    cols = lax.broadcasted_iota(i32, (T, GP), 1)
    colbias = jnp.where(lax.broadcasted_iota(i32, (1, GP), 1) < E,
                        0.0, -1e30)
    logits = jnp.dot(x_ref[...], wg_ref[...],
                     preferred_element_type=f32) + colbias
    maxv = jnp.max(logits, axis=1, keepdims=True)
    cand = jnp.where(logits == maxv, cols, GP)
    idx = jnp.min(cand, axis=1, keepdims=True)
    oh = (cols == idx).astype(f32)

    tri = (lax.broadcasted_iota(i32, (T, T), 1)
           <= lax.broadcasted_iota(i32, (T, T), 0)).astype(f32)
    rank = jnp.sum(jnp.dot(tri, oh, preferred_element_type=f32) * oh,
                   axis=1, keepdims=True)

    counts = jnp.sum(oh, axis=0, keepdims=True)
    seg = jnp.floor((counts + 7.0) * 0.125) * 8.0
    nu = jnp.floor((counts + (TM - 1.0)) * (1.0 / TM))

    subi = lax.broadcasted_iota(i32, (GP, GP), 0)
    subj = lax.broadcasted_iota(i32, (GP, GP), 1)
    tri_exc = (subi < subj).astype(f32)
    eye = (subi == subj).astype(f32)

    def _cumsum_excl(v):
        return jnp.dot(v, tri_exc, preferred_element_type=f32)

    def _to_sub(v):
        return jnp.sum(eye * v, axis=1, keepdims=True)

    starts = _cumsum_excl(seg)
    uoff = _cumsum_excl(nu)
    ends = starts + counts
    total = jnp.sum(nu, axis=1, keepdims=True)

    pos = jnp.dot(oh, _to_sub(starts), preferred_element_type=f32) + rank
    pos_ref[...] = (pos - 1.0).astype(i32)

    iu = lax.broadcasted_iota(i32, (1, GP), 1).astype(f32)
    ic = jnp.minimum(iu, total - 1.0)
    cum_end_s = _to_sub(uoff + nu)
    e_id = jnp.sum((ic >= cum_end_s).astype(f32), axis=0, keepdims=True)
    eoh = (e_id == lax.broadcasted_iota(i32, (GP, GP), 0).astype(f32))
    eohf = eoh.astype(f32)

    def _pick(v_sub):
        return jnp.sum(eohf * v_sub, axis=0, keepdims=True)

    ustart = _pick(_to_sub(starts)) + (ic - _pick(_to_sub(uoff))) * TM
    uend = jnp.minimum(ustart + TM, _pick(_to_sub(ends)))
    sbase = jnp.minimum(ustart, float(TP - TM))
    valid = (iu < total).astype(f32)
    md_ref[...] = jnp.concatenate(
        [e_id, sbase, ustart, uend, valid, e_id, e_id, e_id],
        axis=0).astype(i32)


def _route(x, wg_pad):
    return pl.pallas_call(
        _route_body,
        out_shape=(jax.ShapeDtypeStruct((T, 1), jnp.int32),
                   jax.ShapeDtypeStruct((8, GP), jnp.int32)),
    )(x, wg_pad)


def _sc_gather_rows(table, idxv):
    n = idxv.shape[0]
    bpw = n // _NW
    mesh = plsc.VectorSubcoreMesh(core_axis_name="c", subcore_axis_name="s")

    nch = 3 if bpw % 3 == 0 else 2
    ch = bpw // nch

    @functools.partial(
        pl.kernel,
        mesh=mesh,
        out_type=jax.ShapeDtypeStruct((n, D), jnp.float32),
        scratch_types=[
            pltpu.VMEM((bpw,), jnp.int32),
            pltpu.VMEM((bpw, D), jnp.float32),
            pltpu.SemaphoreType.DMA,
            pltpu.SemaphoreType.DMA,
        ],
    )
    def k(tab_hbm, idx_hbm, out_hbm, idx_v, rows_v, gsem, wsem):
        wid = lax.axis_index("s") * _NC + lax.axis_index("c")
        base = wid * bpw
        pltpu.sync_copy(idx_hbm.at[pl.ds(base, bpw)], idx_v)
        gathers = []
        for j in range(nch):
            gathers.append(pltpu.async_copy(
                tab_hbm.at[idx_v.at[pl.ds(j * ch, ch)]],
                rows_v.at[pl.ds(j * ch, ch)], gsem))
        writes = []
        for j in range(nch):
            gathers[j].wait()
            writes.append(pltpu.async_copy(
                rows_v.at[pl.ds(j * ch, ch)],
                out_hbm.at[pl.ds(base + j * ch, ch)], wsem))
        for wb in writes:
            wb.wait()

    return k(table, idxv)


def _gmm_body(md_ref, x_ref, w1_ref, w2_ref, o_ref):
    k = pl.program_id(0)
    i = pl.program_id(1)

    @pl.when(md_ref[4, i] == 1)
    def _compute():
        sbase = pl.multiple_of(md_ref[1, i], 8)
        x = x_ref[pl.ds(sbase, TM), :].astype(jnp.bfloat16)
        h = jnp.maximum(
            jnp.dot(x, w1_ref[0].astype(jnp.bfloat16),
                    preferred_element_type=jnp.float32), 0.0
        ).astype(jnp.bfloat16)
        c = jnp.dot(h, w2_ref[0].astype(jnp.bfloat16),
                    preferred_element_type=jnp.float32)
        row = sbase + lax.broadcasted_iota(jnp.int32, (TM, 1), 0)
        m = (row >= md_ref[2, i]) & (row < md_ref[3, i])
        o_old = o_ref[pl.ds(sbase, TM), :]
        acc = jnp.where(k > 0, o_old, 0.0) + c
        o_ref[pl.ds(sbase, TM), :] = jnp.where(m, acc, o_old)


def _gmm(md, xs, w1, w2):
    grid_spec = pltpu.PrefetchScalarGridSpec(
        num_scalar_prefetch=1,
        grid=(K, W),
        in_specs=[
            pl.BlockSpec((TP, D), lambda k, i, md: (0, 0)),
            pl.BlockSpec((1, D, FC), lambda k, i, md: (md[0, i], 0, k)),
            pl.BlockSpec((1, FC, D), lambda k, i, md: (md[0, i], k, 0)),
        ],
        out_specs=pl.BlockSpec((TP, D), lambda k, i, md: (0, 0)),
    )
    return pl.pallas_call(
        _gmm_body,
        grid_spec=grid_spec,
        out_shape=jax.ShapeDtypeStruct((TP, D), jnp.float32),
        compiler_params=pltpu.CompilerParams(
            dimension_semantics=("arbitrary", "arbitrary")),
    )(md, xs, w1, w2)


def kernel(x, Wg, bg, W1, b1, W2, b2):
    wg_pad = jnp.zeros((D, GP), jnp.float32).at[:, :E].set(Wg)
    pos2, md = _route(x, wg_pad)
    pos = pos2[:, 0]
    perm = jnp.zeros((TP,), jnp.int32).at[pos].set(jnp.arange(T, dtype=jnp.int32))
    xs = _sc_gather_rows(x, perm[:2048])
    return pos, md, xs

# --- scband reference (transcript-rebuilt; emitter-appended) ---
"""Pipeline reference for scband-experts-model-17523466568300 (READ-ONLY COPY).

The authoritative reference and input builder live on the scoring server;
editing this copy changes nothing except your own understanding.
"""

import jax, jax.numpy as jnp
import numpy as np

T = 2048   # tokens (batch*seq)
D = 1024   # d_model
F = 4096   # d_ff
E = 8      # num_experts = 2**(len(modules)-1) = 2**3


def setup_inputs(seed: int = 0) -> dict:
    key = jax.random.key(seed)
    k0, k1, k2, k3 = jax.random.split(key, 4)
    x = jax.random.normal(k0, (T, D), dtype=jnp.float32)
    # gate: Linear(D, E)
    Wg = jax.random.normal(k1, (D, E), dtype=jnp.float32) * 0.02
    bg = jnp.zeros((E,), dtype=jnp.float32)
    # per-expert MLP: Linear(D,F) -> ReLU -> Linear(F,D) -> Identity
    W1 = jax.random.normal(k2, (E, D, F), dtype=jnp.float32) * 0.02
    b1 = jnp.zeros((E, F), dtype=jnp.float32)
    W2 = jax.random.normal(k3, (E, F, D), dtype=jnp.float32) * 0.02
    b2 = jnp.zeros((E, D), dtype=jnp.float32)
    return {"x": x, "Wg": Wg, "bg": bg, "W1": W1, "b1": b1, "W2": W2, "b2": b2}


def reference(x, Wg, bg, W1, b1, W2, b2):
    # gate_output = torch.max(self.gate(x), dim=1).indices  -> argmax over experts
    logits = x @ Wg + bg                      # [T, E]
    idx = jnp.argmax(logits, axis=1)          # [T] expert index per token
    # outputs[i] = expert_{idx[i]}(x[i]); compute all experts then select (same math)
    h = jax.nn.relu(jnp.einsum('td,edf->etf', x, W1) + b1[:, None, :])   # [E, T, F]
    y = jnp.einsum('etf,efd->etd', h, W2) + b2[:, None, :]               # [E, T, D]
    out = y[idx, jnp.arange(T)]               # [T, D]  select per-token expert output
    # end is None -> no trailing module
    return out

if __name__ == "__main__":
    import jax
    _d = setup_inputs()
    print(jax.jit(kernel)(*tuple(_d.values())))

</pallas_src>

<mosaic_0001>
#map = affine_map<(d0, d1) -> (0, 0)>
#map1 = affine_map<(d0, d1) -> (0)>
module attributes {stable_mosaic.version = 14 : i64} {
  func.func @k(%arg0: i32, %arg1: i32, %arg2: memref<2048x1024xf32, #tpu.memory_space<hbm>>, %arg3: memref<2048xi32, #tpu.memory_space<hbm>>, %arg4: memref<2048x1024xf32, #tpu.memory_space<hbm>>, %arg5: memref<64xi32, #tpu.memory_space<vmem>>, %arg6: memref<64x1024xf32, #tpu.memory_space<vmem>>, %arg7: memref<!tpu.dma_semaphore, #tpu.memory_space<semaphore_mem>>, %arg8: memref<!tpu.dma_semaphore, #tpu.memory_space<semaphore_mem>>) attributes {dimension_semantics = [#tpu.dimension_semantics<core_parallel>, #tpu.dimension_semantics<subcore_parallel>], iteration_bounds = array<i64: 2, 16>, scalar_prefetch = 0 : i64, scratch_operands = 4 : i64, tpu.core_type = #tpu.core_type<sc_vector_subcore>, window_params = [{transform_indices = #map}, {transform_indices = #map1}, {transform_indices = #map}]} {
    %mul3A = arith.constant 2 : i32
    %mul3A_0 = arith.muli %arg1, %mul3A : i32
    %add3A = arith.addi %mul3A_0, %arg0 : i32
    %mul3A_1 = arith.constant 64 : i32
    %mul3A_2 = arith.muli %add3A, %mul3A_1 : i32
    "tpu.region"() ({
      %run_scoped3A = tpu.sem_alloc : memref<!tpu.dma_semaphore, #tpu.memory_space<semaphore_mem>>
      %dma_start3A_77 = tpu.memref_slice %arg3[%mul3A_2] : memref<2048xi32, #tpu.memory_space<hbm>> -> memref<64xi32, #tpu.memory_space<hbm>>
      %dma_start3A_78 = tpu.memref_slice %arg3[%mul3A_2] : memref<2048xi32, #tpu.memory_space<hbm>> -> memref<64xi32, #tpu.memory_space<hbm>>
      tpu.enqueue_dma source(%dma_start3A_78 : memref<64xi32, #tpu.memory_space<hbm>>) target(%arg5 : memref<64xi32, #tpu.memory_space<vmem>>) target_semaphore(%run_scoped3A : memref<!tpu.dma_semaphore, #tpu.memory_space<semaphore_mem>>)
      %dma_wait3A_79 = tpu.memref_slice %arg3[%mul3A_2] : memref<2048xi32, #tpu.memory_space<hbm>> -> memref<64xi32, #tpu.memory_space<hbm>>
      %dma_wait3A_80 = tpu.memref_slice %arg3[%mul3A_2] : memref<2048xi32, #tpu.memory_space<hbm>> -> memref<64xi32, #tpu.memory_space<hbm>>
      tpu.wait_dma2 semaphore(%run_scoped3A : memref<!tpu.dma_semaphore, #tpu.memory_space<semaphore_mem>>) src(%dma_wait3A_80 : memref<64xi32, #tpu.memory_space<hbm>>) dst(%arg5 : memref<64xi32, #tpu.memory_space<vmem>>)
      tpu.yield
    }) : () -> ()
    %dma_start3A = arith.constant 0 : i32
    %dma_start3A_3 = arith.constant 0 : i32
    %dma_start3A_4 = tpu.memref_slice %arg6[%dma_start3A, %dma_start3A_3] : memref<64x1024xf32, #tpu.memory_space<vmem>> -> memref<32x1024xf32, #tpu.memory_space<vmem>>
    %dma_start3A_5 = arith.constant 0 : i32
    %dma_start3A_6 = tpu.memref_slice %arg5[%dma_start3A_5] : memref<64xi32, #tpu.memory_space<vmem>> -> memref<32xi32, #tpu.memory_space<vmem>>
    %dma_start3A_7 = arith.constant 0 : i32
    %dma_start3A_8 = arith.constant 0 : i32
    %dma_start3A_9 = tpu.memref_slice %arg2[%dma_start3A_7, %dma_start3A_8] : memref<2048x1024xf32, #tpu.memory_space<hbm>> -> memref<2048x1024xf32, #tpu.memory_space<hbm>>
    tpu.enqueue_indirect_dma source(%dma_start3A_9 : memref<2048x1024xf32, #tpu.memory_space<hbm>>) target(%dma_start3A_4 : memref<32x1024xf32, #tpu.memory_space<vmem>>) offsets(%dma_start3A_6 : memref<32xi32, #tpu.memory_space<vmem>>) semaphore(%arg7 : memref<!tpu.dma_semaphore, #tpu.memory_space<semaphore_mem>>)
    %dma_start3A_10 = arith.constant 32 : i32
    %dma_start3A_11 = arith.constant 0 : i32
    %dma_start3A_12 = tpu.memref_slice %arg6[%dma_start3A_10, %dma_start3A_11] : memref<64x1024xf32, #tpu.memory_space<vmem>> -> memref<32x1024xf32, #tpu.memory_space<vmem>>
    %dma_start3A_13 = arith.constant 32 : i32
    %dma_start3A_14 = tpu.memref_slice %arg5[%dma_start3A_13] : memref<64xi32, #tpu.memory_space<vmem>> -> memref<32xi32, #tpu.memory_space<vmem>>
    %dma_start3A_15 = arith.constant 0 : i32
    %dma_start3A_16 = arith.constant 0 : i32
    %dma_start3A_17 = tpu.memref_slice %arg2[%dma_start3A_15, %dma_start3A_16] : memref<2048x1024xf32, #tpu.memory_space<hbm>> -> memref<2048x1024xf32, #tpu.memory_space<hbm>>
    tpu.enqueue_indirect_dma source(%dma_start3A_17 : memref<2048x1024xf32, #tpu.memory_space<hbm>>) target(%dma_start3A_12 : memref<32x1024xf32, #tpu.memory_space<vmem>>) offsets(%dma_start3A_14 : memref<32xi32, #tpu.memory_space<vmem>>) semaphore(%arg7 : memref<!tpu.dma_semaphore, #tpu.memory_space<semaphore_mem>>)
    %dma_wait3A = arith.constant 0 : i32
    %dma_wait3A_18 = arith.constant 0 : i32
    %dma_wait3A_19 = tpu.memref_slice %arg6[%dma_wait3A, %dma_wait3A_18] : memref<64x1024xf32, #tpu.memory_space<vmem>> -> memref<32x1024xf32, #tpu.memory_space<vmem>>
    %dma_wait3A_20 = arith.constant 0 : i32
    %dma_wait3A_21 = tpu.memref_slice %arg5[%dma_wait3A_20] : memref<64xi32, #tpu.memory_space<vmem>> -> memref<32xi32, #tpu.memory_space<vmem>>
    %dma_wait3A_22 = arith.constant 0 : i32
    %dma_wait3A_23 = arith.constant 0 : i32
    %dma_wait3A_24 = tpu.memref_slice %arg2[%dma_wait3A_22, %dma_wait3A_23] : memref<2048x1024xf32, #tpu.memory_space<hbm>> -> memref<2048x1024xf32, #tpu.memory_space<hbm>>
    tpu.wait_indirect_dma semaphore(%arg7 : memref<!tpu.dma_semaphore, #tpu.memory_space<semaphore_mem>>) src(%dma_wait3A_24 : memref<2048x1024xf32, #tpu.memory_space<hbm>>) dst(%dma_wait3A_19 : memref<32x1024xf32, #tpu.memory_space<vmem>>)
    %add3A_25 = arith.constant 0 : i32
    %add3A_26 = arith.addi %mul3A_2, %add3A_25 : i32
    %dma_start3A_27 = arith.constant 0 : i32
    %dma_start3A_28 = arith.constant 0 : i32
    %dma_start3A_29 = tpu.memref_slice %arg6[%dma_start3A_27, %dma_start3A_28] : memref<64x1024xf32, #tpu.memory_space<vmem>> -> memref<32x1024xf32, #tpu.memory_space<vmem>>
    %dma_start3A_30 = arith.constant 0 : i32
    %dma_start3A_31 = tpu.memref_slice %arg4[%add3A_26, %dma_start3A_30] : memref<2048x1024xf32, #tpu.memory_space<hbm>> -> memref<32x1024xf32, #tpu.memory_space<hbm>>
    %dma_start3A_32 = arith.constant 0 : i32
    %dma_start3A_33 = tpu.memref_slice %arg4[%add3A_26, %dma_start3A_32] : memref<2048x1024xf32, #tpu.memory_space<hbm>> -> memref<32x1024xf32, #tpu.memory_space<hbm>>
    %dma_start3A_34 = arith.constant 0 : i32
    %dma_start3A_35 = arith.constant 0 : i32
    %dma_start3A_36 = tpu.memref_slice %arg6[%dma_start3A_34, %dma_start3A_35] : memref<64x1024xf32, #tpu.memory_space<vmem>> -> memref<32x1024xf32, #tpu.memory_space<vmem>>
    tpu.enqueue_dma source(%dma_start3A_36 : memref<32x1024xf32, #tpu.memory_space<vmem>>) target(%dma_start3A_33 : memref<32x1024xf32, #tpu.memory_space<hbm>>) target_semaphore(%arg8 : memref<!tpu.dma_semaphore, #tpu.memory_space<semaphore_mem>>)
    %dma_wait3A_37 = arith.constant 32 : i32
    %dma_wait3A_38 = arith.constant 0 : i32
    %dma_wait3A_39 = tpu.memref_slice %arg6[%dma_wait3A_37, %dma_wait3A_38] : memref<64x1024xf32, #tpu.memory_space<vmem>> -> memref<32x1024xf32, #tpu.memory_space<vmem>>
    %dma_wait3A_40 = arith.constant 32 : i32
    %dma_wait3A_41 = tpu.memref_slice %arg5[%dma_wait3A_40] : memref<64xi32, #tpu.memory_space<vmem>> -> memref<32xi32, #tpu.memory_space<vmem>>
    %dma_wait3A_42 = arith.constant 0 : i32
    %dma_wait3A_43 = arith.constant 0 : i32
    %dma_wait3A_44 = tpu.memref_slice %arg2[%dma_wait3A_42, %dma_wait3A_43] : memref<2048x1024xf32, #tpu.memory_space<hbm>> -> memref<2048x1024xf32, #tpu.memory_space<hbm>>
    tpu.wait_indirect_dma semaphore(%arg7 : memref<!tpu.dma_semaphore, #tpu.memory_space<semaphore_mem>>) src(%dma_wait3A_44 : memref<2048x1024xf32, #tpu.memory_space<hbm>>) dst(%dma_wait3A_39 : memref<32x1024xf32, #tpu.memory_space<vmem>>)
    %add3A_45 = arith.constant 32 : i32
    %add3A_46 = arith.addi %mul3A_2, %add3A_45 : i32
    %dma_start3A_47 = arith.constant 32 : i32
    %dma_start3A_48 = arith.constant 0 : i32
    %dma_start3A_49 = tpu.memref_slice %arg6[%dma_start3A_47, %dma_start3A_48] : memref<64x1024xf32, #tpu.memory_space<vmem>> -> memref<32x1024xf32, #tpu.memory_space<vmem>>
    %dma_start3A_50 = arith.constant 0 : i32
    %dma_start3A_51 = tpu.memref_slice %arg4[%add3A_46, %dma_start3A_50] : memref<2048x1024xf32, #tpu.memory_space<hbm>> -> memref<32x1024xf32, #tpu.memory_space<hbm>>
    %dma_start3A_52 = arith.constant 0 : i32
    %dma_start3A_53 = tpu.memref_slice %arg4[%add3A_46, %dma_start3A_52] : memref<2048x1024xf32, #tpu.memory_space<hbm>> -> memref<32x1024xf32, #tpu.memory_space<hbm>>
    %dma_start3A_54 = arith.constant 32 : i32
    %dma_start3A_55 = arith.constant 0 : i32
    %dma_start3A_56 = tpu.memref_slice %arg6[%dma_start3A_54, %dma_start3A_55] : memref<64x1024xf32, #tpu.memory_space<vmem>> -> memref<32x1024xf32, #tpu.memory_space<vmem>>
    tpu.enqueue_dma source(%dma_start3A_56 : memref<32x1024xf32, #tpu.memory_space<vmem>>) target(%dma_start3A_53 : memref<32x1024xf32, #tpu.memory_space<hbm>>) target_semaphore(%arg8 : memref<!tpu.dma_semaphore, #tpu.memory_space<semaphore_mem>>)
    %dma_wait3A_57 = arith.constant 0 : i32
    %dma_wait3A_58 = arith.constant 0 : i32
    %dma_wait3A_59 = tpu.memref_slice %arg6[%dma_wait3A_57, %dma_wait3A_58] : memref<64x1024xf32, #tpu.memory_space<vmem>> -> memref<32x1024xf32, #tpu.memory_space<vmem>>
    %dma_wait3A_60 = arith.constant 0 : i32
    %dma_wait3A_61 = tpu.memref_slice %arg4[%add3A_26, %dma_wait3A_60] : memref<2048x1024xf32, #tpu.memory_space<hbm>> -> memref<32x1024xf32, #tpu.memory_space<hbm>>
    %dma_wait3A_62 = arith.constant 0 : i32
    %dma_wait3A_63 = tpu.memref_slice %arg4[%add3A_26, %dma_wait3A_62] : memref<2048x1024xf32, #tpu.memory_space<hbm>> -> memref<32x1024xf32, #tpu.memory_space<hbm>>
    %dma_wait3A_64 = arith.constant 0 : i32
    %dma_wait3A_65 = arith.constant 0 : i32
    %dma_wait3A_66 = tpu.memref_slice %arg6[%dma_wait3A_64, %dma_wait3A_65] : memref<64x1024xf32, #tpu.memory_space<vmem>> -> memref<32x1024xf32, #tpu.memory_space<vmem>>
    tpu.wait_dma2 semaphore(%arg8 : memref<!tpu.dma_semaphore, #tpu.memory_space<semaphore_mem>>) src(%dma_wait3A_66 : memref<32x1024xf32, #tpu.memory_space<vmem>>) dst(%dma_wait3A_63 : memref<32x1024xf32, #tpu.memory_space<hbm>>)
    %dma_wait3A_67 = arith.constant 32 : i32
    %dma_wait3A_68 = arith.constant 0 : i32
    %dma_wait3A_69 = tpu.memref_slice %arg6[%dma_wait3A_67, %dma_wait3A_68] : memref<64x1024xf32, #tpu.memory_space<vmem>> -> memref<32x1024xf32, #tpu.memory_space<vmem>>
    %dma_wait3A_70 = arith.constant 0 : i32
    %dma_wait3A_71 = tpu.memref_slice %arg4[%add3A_46, %dma_wait3A_70] : memref<2048x1024xf32, #tpu.memory_space<hbm>> -> memref<32x1024xf32, #tpu.memory_space<hbm>>
    %dma_wait3A_72 = arith.constant 0 : i32
    %dma_wait3A_73 = tpu.memref_slice %arg4[%add3A_46, %dma_wait3A_72] : memref<2048x1024xf32, #tpu.memory_space<hbm>> -> memref<32x1024xf32, #tpu.memory_space<hbm>>
    %dma_wait3A_74 = arith.constant 32 : i32
    %dma_wait3A_75 = arith.constant 0 : i32
    %dma_wait3A_76 = tpu.memref_slice %arg6[%dma_wait3A_74, %dma_wait3A_75] : memref<64x1024xf32, #tpu.memory_space<vmem>> -> memref<32x1024xf32, #tpu.memory_space<vmem>>
    tpu.wait_dma2 semaphore(%arg8 : memref<!tpu.dma_semaphore, #tpu.memory_space<semaphore_mem>>) src(%dma_wait3A_76 : memref<32x1024xf32, #tpu.memory_space<vmem>>) dst(%dma_wait3A_73 : memref<32x1024xf32, #tpu.memory_space<hbm>>)
    return
  }
}

module attributes {stable_mosaic.version = 14 : i64} {
  func.func @_route_body(%arg0: memref<2048x1024xf32, #tpu.memory_space<vmem>>, %arg1: memref<1024x128xf32, #tpu.memory_space<vmem>>, %arg2: memref<2048x1xi32, #tpu.memory_space<vmem>>, %arg3: memref<8x128xi32, #tpu.memory_space<vmem>>) attributes {dimension_semantics = [], scalar_prefetch = 0 : i64, scratch_operands = 0 : i64, tpu.core_type = #tpu.core_type<tc>} {
    %iota3A = tpu.iota {dimensions = array<i32: 1>} : vector<2048x128xi32>
    %iota3A_0 = tpu.iota {dimensions = array<i32: 1>} : vector<1x128xi32>
    %lt3A = arith.constant 8 : i32
    %lt3A_1 = vector.broadcast %lt3A : i32 to vector<1x128xi32>
    %lt3A_2 = arith.cmpi slt, %iota3A_0, %lt3A_1 : vector<1x128xi32>
    %jit3A = arith.constant 0.000000e+00 : f32
    %jit3A_3 = arith.constant -1.000000e+30 : f32
    %broadcast_in_dim3A = vector.broadcast %jit3A : f32 to vector<1x128xf32>
    %broadcast_in_dim3A_4 = vector.broadcast %jit3A_3 : f32 to vector<1x128xf32>
    %select_n3A = arith.select %lt3A_2, %broadcast_in_dim3A, %broadcast_in_dim3A_4 : vector<1x128xi1>, vector<1x128xf32>
    %get3A = arith.constant 0 : index
    %get3A_5 = arith.constant 0 : index
    %get3A_6 = vector.load %arg0[%get3A, %get3A_5] : memref<2048x1024xf32, #tpu.memory_space<vmem>>, vector<2048x1024xf32>
    %get3A_7 = arith.constant 0 : index
    %get3A_8 = arith.constant 0 : index
    %get3A_9 = vector.load %arg1[%get3A_7, %get3A_8] : memref<1024x128xf32, #tpu.memory_space<vmem>>, vector<1024x128xf32>
    %dot_general3A = arith.constant dense<0.000000e+00> : vector<2048x128xf32>
    %dot_general3A_10 = tpu.matmul %get3A_6, %get3A_9, %dot_general3A {dimension_numbers = #tpu.dot_dimension_numbers<[1], [0], [0], [1], [0, 0, 1, 1], [], []>, transpose_lhs_hint = false} : vector<2048x1024xf32>, vector<1024x128xf32>, vector<2048x128xf32> -> vector<2048x128xf32>
    %add3A = vector.broadcast %select_n3A : vector<1x128xf32> to vector<2048x128xf32>
    %add3A_11 = arith.addf %dot_general3A_10, %add3A : vector<2048x128xf32>
    %reduce_max3A = arith.constant dense<0xFF800000> : vector<2048xf32>
    %reduce_max3A_12 = vector.multi_reduction <maximumf>, %add3A_11, %reduce_max3A [1] : vector<2048x128xf32> to vector<2048xf32>
    %broadcast_in_dim3A_13 = vector.shape_cast %reduce_max3A_12 : vector<2048xf32> to vector<2048x1xf32>
    %eq3A = vector.broadcast %broadcast_in_dim3A_13 : vector<2048x1xf32> to vector<2048x128xf32>
    %eq3A_14 = arith.cmpf oeq, %add3A_11, %eq3A : vector<2048x128xf32>
    %jit3A_15 = arith.constant 128 : i32
    %broadcast_in_dim3A_16 = vector.broadcast %jit3A_15 : i32 to vector<2048x128xi32>
    %select_n3A_17 = arith.select %eq3A_14, %iota3A, %broadcast_in_dim3A_16 : vector<2048x128xi1>, vector<2048x128xi32>
    %reduce_min3A = arith.constant dense<2147483647> : vector<2048xi32>
    %reduce_min3A_18 = vector.multi_reduction <minsi>, %select_n3A_17, %reduce_min3A [1] : vector<2048x128xi32> to vector<2048xi32>
    %broadcast_in_dim3A_19 = vector.shape_cast %reduce_min3A_18 : vector<2048xi32> to vector<2048x1xi32>
    %eq3A_20 = vector.broadcast %broadcast_in_dim3A_19 : vector<2048x1xi32> to vector<2048x128xi32>
    %eq3A_21 = arith.cmpi eq, %iota3A, %eq3A_20 : vector<2048x128xi32>
    %convert_element_type3A = arith.extui %eq3A_21 : vector<2048x128xi1> to vector<2048x128xi32>
    %convert_element_type3A_22 = arith.sitofp %convert_element_type3A : vector<2048x128xi32> to vector<2048x128xf32>
    %iota3A_23 = tpu.iota {dimensions = array<i32: 1>} : vector<2048x2048xi32>
    %iota3A_24 = tpu.iota {dimensions = array<i32: 0>} : vector<2048x2048xi32>
    %le3A = arith.cmpi sle, %iota3A_23, %iota3A_24 : vector<2048x2048xi32>
    %convert_element_type3A_25 = arith.extui %le3A : vector<2048x2048xi1> to vector<2048x2048xi32>
    %convert_element_type3A_26 = arith.sitofp %convert_element_type3A_25 : vector<2048x2048xi32> to vector<2048x2048xf32>
    %dot_general3A_27 = arith.constant dense<0.000000e+00> : vector<2048x128xf32>
    %dot_general3A_28 = tpu.matmul %convert_element_type3A_26, %convert_element_type3A_22, %dot_general3A_27 {dimension_numbers = #tpu.dot_dimension_numbers<[1], [0], [0], [1], [0, 0, 1, 1], [], []>, transpose_lhs_hint = false} : vector<2048x2048xf32>, vector<2048x128xf32>, vector<2048x128xf32> -> vector<2048x128xf32>
    %mul3A = arith.mulf %dot_general3A_28, %convert_element_type3A_22 : vector<2048x128xf32>
    %reduce_sum3A = arith.constant dense<0.000000e+00> : vector<2048xf32>
    %reduce_sum3A_29 = vector.multi_reduction <add>, %mul3A, %reduce_sum3A [1] : vector<2048x128xf32> to vector<2048xf32>
    %broadcast_in_dim3A_30 = vector.shape_cast %reduce_sum3A_29 : vector<2048xf32> to vector<2048x1xf32>
    %reduce_sum3A_31 = arith.constant dense<0.000000e+00> : vector<128xf32>
    %reduce_sum3A_32 = vector.multi_reduction <add>, %convert_element_type3A_22, %reduce_sum3A_31 [0] : vector<2048x128xf32> to vector<128xf32>
    %broadcast_in_dim3A_33 = vector.shape_cast %reduce_sum3A_32 : vector<128xf32> to vector<1x128xf32>
    %add3A_34 = arith.constant 7.000000e+00 : f32
    %add3A_35 = vector.broadcast %add3A_34 : f32 to vector<1x128xf32>
    %add3A_36 = arith.addf %broadcast_in_dim3A_33, %add3A_35 : vector<1x128xf32>
    %mul3A_37 = arith.constant 1.250000e-01 : f32
    %mul3A_38 = vector.broadcast %mul3A_37 : f32 to vector<1x128xf32>
    %mul3A_39 = arith.mulf %add3A_36, %mul3A_38 : vector<1x128xf32>
    %floor3A = math.floor %mul3A_39 : vector<1x128xf32>
    %mul3A_40 = arith.constant 8.000000e+00 : f32
    %mul3A_41 = vector.broadcast %mul3A_40 : f32 to vector<1x128xf32>
    %mul3A_42 = arith.mulf %floor3A, %mul3A_41 : vector<1x128xf32>
    %add3A_43 = arith.constant 2.550000e+02 : f32
    %add3A_44 = vector.broadcast %add3A_43 : f32 to vector<1x128xf32>
    %add3A_45 = arith.addf %broadcast_in_dim3A_33, %add3A_44 : vector<1x128xf32>
    %mul3A_46 = arith.constant 3.906250e-03 : f32
    %mul3A_47 = vector.broadcast %mul3A_46 : f32 to vector<1x128xf32>
    %mul3A_48 = arith.mulf %add3A_45, %mul3A_47 : vector<1x128xf32>
    %floor3A_49 = math.floor %mul3A_48 : vector<1x128xf32>
    %iota3A_50 = tpu.iota {dimensions = array<i32: 0>} : vector<128x128xi32>
    %iota3A_51 = tpu.iota {dimensions = array<i32: 1>} : vector<128x128xi32>
    %lt3A_52 = arith.cmpi slt, %iota3A_50, %iota3A_51 : vector<128x128xi32>
    %convert_element_type3A_53 = arith.extui %lt3A_52 : vector<128x128xi1> to vector<128x128xi32>
    %convert_element_type3A_54 = arith.sitofp %convert_element_type3A_53 : vector<128x128xi32> to vector<128x128xf32>
    %eq3A_55 = arith.cmpi eq, %iota3A_50, %iota3A_51 : vector<128x128xi32>
    %convert_element_type3A_56 = arith.extui %eq3A_55 : vector<128x128xi1> to vector<128x128xi32>
    %convert_element_type3A_57 = arith.sitofp %convert_element_type3A_56 : vector<128x128xi32> to vector<128x128xf32>
    %dot_general3A_58 = arith.constant dense<0.000000e+00> : vector<1x128xf32>
    %dot_general3A_59 = tpu.matmul %mul3A_42, %convert_element_type3A_54, %dot_general3A_58 {dimension_numbers = #tpu.dot_dimension_numbers<[1], [0], [0], [1], [0, 0, 1, 1], [], []>, transpose_lhs_hint = false} : vector<1x128xf32>, vector<128x128xf32>, vector<1x128xf32> -> vector<1x128xf32>
    %dot_general3A_60 = arith.constant dense<0.000000e+00> : vector<1x128xf32>
    %dot_general3A_61 = tpu.matmul %floor3A_49, %convert_element_type3A_54, %dot_general3A_60 {dimension_numbers = #tpu.dot_dimension_numbers<[1], [0], [0], [1], [0, 0, 1, 1], [], []>, transpose_lhs_hint = false} : vector<1x128xf32>, vector<128x128xf32>, vector<1x128xf32> -> vector<1x128xf32>
    %add3A_62 = arith.addf %dot_general3A_59, %broadcast_in_dim3A_33 : vector<1x128xf32>
    %reduce_sum3A_63 = arith.constant dense<0.000000e+00> : vector<1xf32>
    %reduce_sum3A_64 = vector.multi_reduction <add>, %floor3A_49, %reduce_sum3A_63 [1] : vector<1x128xf32> to vector<1xf32>
    %broadcast_in_dim3A_65 = vector.shape_cast %reduce_sum3A_64 : vector<1xf32> to vector<1x1xf32>
    %mul3A_66 = vector.broadcast %dot_general3A_59 : vector<1x128xf32> to vector<128x128xf32>
    %mul3A_67 = arith.mulf %convert_element_type3A_57, %mul3A_66 : vector<128x128xf32>
    %reduce_sum3A_68 = arith.constant dense<0.000000e+00> : vector<128xf32>
    %reduce_sum3A_69 = vector.multi_reduction <add>, %mul3A_67, %reduce_sum3A_68 [1] : vector<128x128xf32> to vector<128xf32>
    %broadcast_in_dim3A_70 = vector.shape_cast %reduce_sum3A_69 : vector<128xf32> to vector<128x1xf32>
    %dot_general3A_71 = arith.constant dense<0.000000e+00> : vector<2048x1xf32>
    %dot_general3A_72 = tpu.matmul %convert_element_type3A_22, %broadcast_in_dim3A_70, %dot_general3A_71 {dimension_numbers = #tpu.dot_dimension_numbers<[1], [0], [0], [1], [0, 0, 1, 1], [], []>, transpose_lhs_hint = false} : vector<2048x128xf32>, vector<128x1xf32>, vector<2048x1xf32> -> vector<2048x1xf32>
    %add3A_73 = arith.addf %dot_general3A_72, %broadcast_in_dim3A_30 : vector<2048x1xf32>
    %sub3A = arith.constant 1.000000e+00 : f32
    %sub3A_74 = vector.broadcast %sub3A : f32 to vector<2048x1xf32>
    %sub3A_75 = arith.subf %add3A_73, %sub3A_74 : vector<2048x1xf32>
    %convert_element_type3A_76 = arith.fptosi %sub3A_75 : vector<2048x1xf32> to vector<2048x1xi32>
    %swap3A = arith.constant 0 : index
    %swap3A_77 = arith.constant 0 : index
    %swap3A_78 = vector.load %arg2[%swap3A, %swap3A_77] : memref<2048x1xi32, #tpu.memory_space<vmem>>, vector<2048x1xi32>
    tpu.vector_store %arg2[%swap3A, %swap3A_77], %convert_element_type3A_76 {strides = array<i32>} : memref<2048x1xi32, #tpu.memory_space<vmem>>, vector<2048x1xi32>,
    %iota3A_79 = tpu.iota {dimensions = array<i32: 1>} : vector<1x128xi32>
    %convert_element_type3A_80 = arith.sitofp %iota3A_79 : vector<1x128xi32> to vector<1x128xf32>
    %sub3A_81 = arith.constant 1.000000e+00 : f32
    %sub3A_82 = vector.broadcast %sub3A_81 : f32 to vector<1x1xf32>
    %sub3A_83 = arith.subf %broadcast_in_dim3A_65, %sub3A_82 : vector<1x1xf32>
    %min3A = vector.broadcast %sub3A_83 : vector<1x1xf32> to vector<1x128xf32>
    %min3A_84 = arith.minimumf %convert_element_type3A_80, %min3A : vector<1x128xf32>
    %add3A_85 = arith.addf %dot_general3A_61, %floor3A_49 : vector<1x128xf32>
    %mul3A_86 = vector.broadcast %add3A_85 : vector<1x128xf32> to vector<128x128xf32>
    %mul3A_87 = arith.mulf %convert_element_type3A_57, %mul3A_86 : vector<128x128xf32>
    %reduce_sum3A_88 = arith.constant dense<0.000000e+00> : vector<128xf32>
    %reduce_sum3A_89 = vector.multi_reduction <add>, %mul3A_87, %reduce_sum3A_88 [1] : vector<128x128xf32> to vector<128xf32>
    %broadcast_in_dim3A_90 = vector.shape_cast %reduce_sum3A_89 : vector<128xf32> to vector<128x1xf32>
    %ge3A = vector.broadcast %min3A_84 : vector<1x128xf32> to vector<128x128xf32>
    %ge3A_91 = vector.broadcast %broadcast_in_dim3A_90 : vector<128x1xf32> to vector<128x128xf32>
    %ge3A_92 = arith.cmpf oge, %ge3A, %ge3A_91 : vector<128x128xf32>
    %convert_element_type3A_93 = arith.extui %ge3A_92 : vector<128x128xi1> to vector<128x128xi32>
    %convert_element_type3A_94 = arith.sitofp %convert_element_type3A_93 : vector<128x128xi32> to vector<128x128xf32>
    %reduce_sum3A_95 = arith.constant dense<0.000000e+00> : vector<128xf32>
    %reduce_sum3A_96 = vector.multi_reduction <add>, %convert_element_type3A_94, %reduce_sum3A_95 [0] : vector<128x128xf32> to vector<128xf32>
    %broadcast_in_dim3A_97 = vector.shape_cast %reduce_sum3A_96 : vector<128xf32> to vector<1x128xf32>
    %iota3A_98 = tpu.iota {dimensions = array<i32: 0>} : vector<128x128xi32>
    %convert_element_type3A_99 = arith.sitofp %iota3A_98 : vector<128x128xi32> to vector<128x128xf32>
    %eq3A_100 = vector.broadcast %broadcast_in_dim3A_97 : vector<1x128xf32> to vector<128x128xf32>
    %eq3A_101 = arith.cmpf oeq, %eq3A_100, %convert_element_type3A_99 : vector<128x128xf32>
    %convert_element_type3A_102 = arith.extui %eq3A_101 : vector<128x128xi1> to vector<128x128xi32>
    %convert_element_type3A_103 = arith.sitofp %convert_element_type3A_102 : vector<128x128xi32> to vector<128x128xf32>
    %mul3A_104 = vector.broadcast %dot_general3A_59 : vector<1x128xf32> to vector<128x128xf32>
    %mul3A_105 = arith.mulf %convert_element_type3A_57, %mul3A_104 : vector<128x128xf32>
    %reduce_sum3A_106 = arith.constant dense<0.000000e+00> : vector<128xf32>
    %reduce_sum3A_107 = vector.multi_reduction <add>, %mul3A_105, %reduce_sum3A_106 [1] : vector<128x128xf32> to vector<128xf32>
    %broadcast_in_dim3A_108 = vector.shape_cast %reduce_sum3A_107 : vector<128xf32> to vector<128x1xf32>
    %mul3A_109 = vector.broadcast %broadcast_in_dim3A_108 : vector<128x1xf32> to vector<128x128xf32>
    %mul3A_110 = arith.mulf %convert_element_type3A_103, %mul3A_109 : vector<128x128xf32>
    %reduce_sum3A_111 = arith.constant dense<0.000000e+00> : vector<128xf32>
    %reduce_sum3A_112 = vector.multi_reduction <add>, %mul3A_110, %reduce_sum3A_111 [0] : vector<128x128xf32> to vector<128xf32>
    %broadcast_in_dim3A_113 = vector.shape_cast %reduce_sum3A_112 : vector<128xf32> to vector<1x128xf32>
    %mul3A_114 = vector.broadcast %dot_general3A_61 : vector<1x128xf32> to vector<128x128xf32>
    %mul3A_115 = arith.mulf %convert_element_type3A_57, %mul3A_114 : vector<128x128xf32>
    %reduce_sum3A_116 = arith.constant dense<0.000000e+00> : vector<128xf32>
    %reduce_sum3A_117 = vector.multi_reduction <add>, %mul3A_115, %reduce_sum3A_116 [1] : vector<128x128xf32> to vector<128xf32>
    %broadcast_in_dim3A_118 = vector.shape_cast %reduce_sum3A_117 : vector<128xf32> to vector<128x1xf32>
    %mul3A_119 = vector.broadcast %broadcast_in_dim3A_118 : vector<128x1xf32> to vector<128x128xf32>
    %mul3A_120 = arith.mulf %convert_element_type3A_103, %mul3A_119 : vector<128x128xf32>
    %reduce_sum3A_121 = arith.constant dense<0.000000e+00> : vector<128xf32>
    %reduce_sum3A_122 = vector.multi_reduction <add>, %mul3A_120, %reduce_sum3A_121 [0] : vector<128x128xf32> to vector<128xf32>
    %broadcast_in_dim3A_123 = vector.shape_cast %reduce_sum3A_122 : vector<128xf32> to vector<1x128xf32>
    %sub3A_124 = arith.subf %min3A_84, %broadcast_in_dim3A_123 : vector<1x128xf32>
    %mul3A_125 = arith.constant 2.560000e+02 : f32
    %mul3A_126 = vector.broadcast %mul3A_125 : f32 to vector<1x128xf32>
    %mul3A_127 = arith.mulf %sub3A_124, %mul3A_126 : vector<1x128xf32>
    %add3A_128 = arith.addf %broadcast_in_dim3A_113, %mul3A_127 : vector<1x128xf32>
    %add3A_129 = arith.constant 2.560000e+02 : f32
    %add3A_130 = vector.broadcast %add3A_129 : f32 to vector<1x128xf32>
    %add3A_131 = arith.addf %add3A_128, %add3A_130 : vector<1x128xf32>
    %mul3A_132 = vector.broadcast %add3A_62 : vector<1x128xf32> to vector<128x128xf32>
    %mul3A_133 = arith.mulf %convert_element_type3A_57, %mul3A_132 : vector<128x128xf32>
    %reduce_sum3A_134 = arith.constant dense<0.000000e+00> : vector<128xf32>
    %reduce_sum3A_135 = vector.multi_reduction <add>, %mul3A_133, %reduce_sum3A_134 [1] : vector<128x128xf32> to vector<128xf32>
    %broadcast_in_dim3A_136 = vector.shape_cast %reduce_sum3A_135 : vector<128xf32> to vector<128x1xf32>
    %mul3A_137 = vector.broadcast %broadcast_in_dim3A_136 : vector<128x1xf32> to vector<128x128xf32>
    %mul3A_138 = arith.mulf %convert_element_type3A_103, %mul3A_137 : vector<128x128xf32>
    %reduce_sum3A_139 = arith.constant dense<0.000000e+00> : vector<128xf32>
    %reduce_sum3A_140 = vector.multi_reduction <add>, %mul3A_138, %reduce_sum3A_139 [0] : vector<128x128xf32> to vector<128xf32>
    %broadcast_in_dim3A_141 = vector.shape_cast %reduce_sum3A_140 : vector<128xf32> to vector<1x128xf32>
    %min3A_142 = arith.minimumf %add3A_131, %broadcast_in_dim3A_141 : vector<1x128xf32>
    %min3A_143 = arith.constant 2.048000e+03 : f32
    %min3A_144 = vector.broadcast %min3A_143 : f32 to vector<1x128xf32>
    %min3A_145 = arith.minimumf %add3A_128, %min3A_144 : vector<1x128xf32>
    %lt3A_146 = vector.broadcast %broadcast_in_dim3A_65 : vector<1x1xf32> to vector<1x128xf32>
    %lt3A_147 = arith.cmpf olt, %convert_element_type3A_80, %lt3A_146 : vector<1x128xf32>
    %convert_element_type3A_148 = arith.extui %lt3A_147 : vector<1x128xi1> to vector<1x128xi32>
    %convert_element_type3A_149 = arith.sitofp %convert_element_type3A_148 : vector<1x128xi32> to vector<1x128xf32>
    %concatenate3A = tpu.concatenate %broadcast_in_dim3A_97, %min3A_145, %add3A_128, %min3A_142, %convert_element_type3A_149, %broadcast_in_dim3A_97, %broadcast_in_dim3A_97, %broadcast_in_dim3A_97 in 0 : vector<1x128xf32>, vector<1x128xf32>, vector<1x128xf32>, vector<1x128xf32>, vector<1x128xf32>, vector<1x128xf32>, vector<1x128xf32>, vector<1x128xf32> -> vector<8x128xf32>
    %convert_element_type3A_150 = arith.fptosi %concatenate3A : vector<8x128xf32> to vector<8x128xi32>
    %swap3A_151 = arith.constant 0 : index
    %swap3A_152 = arith.constant 0 : index
    %swap3A_153 = vector.load %arg3[%swap3A_151, %swap3A_152] : memref<8x128xi32, #tpu.memory_space<vmem>>, vector<8x128xi32>
    tpu.vector_store %arg3[%swap3A_151, %swap3A_152], %convert_element_type3A_150 {strides = array<i32>} : memref<8x128xi32, #tpu.memory_space<vmem>>, vector<8x128xi32>,
    return
  }
}

</mosaic_0001>

<sc_bundles>
// kernel: kernel.4.cloned.1.call-start
scs
__scs_entry_jumppad:
0x0: {  	(pc) =	sbr.rel $0x88, $3  }
0x1: {  	(tag) =	ssettag $0x0;
	lr =	simm.s32 $0x1  }
0x2: {  	[smem:$0x3F9F] =	sst lr;
	_ =	strace $0xD0000000  }
0x3: {  	_ = 	snop  }
0x4: {  	_ = 	snop  }
0x5: {  	_ = 	snop  }
0x6: {  	_ = 	snop  }
0x7: {  	_ = 	snop  }
__scs_overlays_trampoline_lowered:
0x8: {  	[smem:$0x3FAE] =	sst s0  }
0x9: {  	[smem:$0x3FAF] =	sst s1  }
0xa: {  	[smem:$0x3FB0] =	sst s2  }
0xb: {  	[smem:$0x3FB1] =	sst s3  }
0xc: {  	[smem:$0x3FB2] =	sst s4  }
0xd: {  	[smem:$0x3FB3] =	sst s5  }
0xe: {  	[smem:$0x3FB4] =	sst s6  }
0xf: {  	[smem:$0x3FB5] =	sst s7  }
0x10: {  	[smem:$0x3FB6] =	sst s8  }
0x11: {  	[smem:$0x3FB7] =	sst s9;
	s0 =	simm.s32 @!p0 $0x0  }
0x12: {  	s1 =	sld [smem:$0x3F9D];
	s0 =	simm.s32 @p0 $0x1  }
0x13: {  	[smem:$0x3FB8] =	sst s0;
	s0 =	simm.s32 @!p1 $0x0  }
0x14: {  	s2 =	sld [smem:$0x3F9C];
	s0 =	simm.s32 @p1 $0x1  }
0x15: {  	[smem:$0x3FB9] =	sst s0;
	s0 =	simm.s32 @!p2 $0x0  }
0x16: {  	s3 =	sld [smem:$0x3FDB];
	s0 =	simm.s32 @p2 $0x1  }
0x17: {  	s4 =	simm.s32 $0x1BF5;
	[smem:$0x3FBB] =	sst s0  }
0x18: {  	s0 =	sld [smem:$0x3F9E];
	_ =	swait.ge [sflag:s4], $0x0  }
0x19: {  	s7 =	sld [smem:$0x3F9F]  }
0x1a: {  	s8 =	sadd.s32 $0xFFFFE003, lr  }
0x1b: {  	s9 =	sadd.s32 $0xFFFFFEF7, lr;
	s5 =	simm.s32 $0xFFFFFFFF;
	p2 =	slt.u32 s8, $0xFFFFF086  }
0x1c: {  	p1 =	slt.u32 s9, $0xF7A;
	s5 =	simm.s32 @!p2 $0x0  }
0x1d: {  	s5 =	simm.s32 @p1 $0x1;
	p0 =	seq.s32 s7, s2  }
0x1e: {  	s7 =	smul.u32 @!p0 $0xF7A, s2;
	p2 =	seq.s32 @!p0 s5, $0x0  }
0x1f: {  	s9 =	smul.u32 $0xF7A, s1;
	s8 =	simm.s32 @!p0 $0x1BF5;
	p2 =	por !p2, p0  }
0x20: {  	[sflag:s8] =	ssyncset.s32 @!p0 $0xFFFFF086;
	s6 =	sadd.s32 @!p0 s3, s7;
	s7 =	simm.s32 @!p0 $0x108  }
0x21: {  	s3 =	sadd.s32 s3, s9;
	s6 =	sadd.s32 @!p0 $0x88, s6;
	s7 =	simm.s32 @p2 $0x1082  }
0x22: {  	[simem:s7], [sflag:s8] =	dma.local @!p0 [hbm:s6], $0xF7A  }
0x23: {  	s9 =	sor.u32 $0xD0000000, s2;
	s6 =	simm.s32 $0x108;
	_ =	swait.ge @!p0 [sflag:s8], $0x0  }
0x24: {  	s3 =	sadd.s32 $0x88, s3;
	s6 =	simm.s32 @!p1 $0x1082;
	[sflag:s4] =	ssyncset.s32 $0xFFFFF086  }
0x25: {  	[simem:s6], [sflag:s4] =	dma.local [hbm:s3], $0xF7A  }
0x26: {  	[smem:$0x3F9F] =	sst s1;
	(tag) =	ssettag s2;
	_ =	strace s9  }
0x27: {  	s1 =	sld [smem:$0x3FAF]  }
0x28: {  	s2 =	sld [smem:$0x3FB0]  }
0x29: {  	s4 =	sld [smem:$0x3FB2]  }
0x2a: {  	p0 =	seq.s32 s5, $0x0;
	s5 =	sld [smem:$0x3FB3]  }
0x2b: {  	s6 =	sld [smem:$0x3FB4]  }
0x2c: {  	s7 =	sld [smem:$0x3FB5]  }
0x2d: {  	s3 =	simm.s32 $0x108;
	s8 =	sld [smem:$0x3FB6]  }
0x2e: {  	s3 =	simm.s32 @!p0 $0x1082;
	s9 =	sld [smem:$0x3FB7]  }
0x2f: {  	lr =	sadd.s32 s0, s3;
	s0 =	sld [smem:$0x3FAE]  }
0x30: {  	s3 =	sld [smem:$0x3FB1]  }
0x31: {  	[smem:$0x3FBA] =	sst s10  }
0x32: {  	s10 =	sld [smem:$0x3FB8];
	_ =	sdelay $0x3  }
0x33: {  	p0 =	seq.s32 s10, $0x1;
	s10 =	sld [smem:$0x3FBA];
	_ =	sdelay $0x3  }
0x34: {  	[smem:$0x3FBA] =	sst s10  }
0x35: {  	s10 =	sld [smem:$0x3FB9];
	_ =	sdelay $0x3  }
0x36: {  	p1 =	seq.s32 s10, $0x1;
	s10 =	sld [smem:$0x3FBA];
	_ =	sdelay $0x3  }
0x37: {  	[smem:$0x3FBA] =	sst s10  }
0x38: {  	s10 =	sld [smem:$0x3FBB]  }
0x39: {  	_ = 	snop;
	(pc) =	sbr.ind lr, $3  }
0x3a: {  	_ = 	snop  }
0x3b: {  	_ = 	snop  }
0x3c: {  	p2 =	seq.s32 s10, $0x1;
	s10 =	sld [smem:$0x3FBA]  }
0x3d: {  	_ =	shalt  }
0x3e: {  	_ =	shalt  }
0x3f: {  	_ =	shalt  }
0x40: {  	_ =	shalt  }
0x41: {  	_ =	shalt  }
0x42: {  	_ =	shalt  }
0x43: {  	_ =	shalt  }
0x44: {  	_ =	shalt  }
0x45: {  	_ =	shalt  }
0x46: {  	_ =	shalt  }
0x47: {  	_ =	shalt  }
0x48: {  	_ =	shalt  }
0x49: {  	_ =	shalt  }
0x4a: {  	_ =	shalt  }
0x4b: {  	_ =	shalt  }
0x4c: {  	_ =	shalt  }
0x4d: {  	_ =	shalt  }
0x4e: {  	_ =	shalt  }
0x4f: {  	_ =	shalt  }
0x50: {  	_ =	shalt  }
0x51: {  	_ =	shalt  }
0x52: {  	_ =	shalt  }
0x53: {  	_ =	shalt  }
0x54: {  	_ =	shalt  }
0x55: {  	_ =	shalt  }
0x56: {  	_ =	shalt  }
0x57: {  	_ =	shalt  }
0x58: {  	_ =	shalt  }
0x59: {  	_ =	shalt  }
0x5a: {  	_ =	shalt  }
0x5b: {  	_ =	shalt  }
0x5c: {  	_ =	shalt  }
0x5d: {  	_ =	shalt  }
0x5e: {  	_ =	shalt  }
0x5f: {  	_ =	shalt  }
0x60: {  	_ =	shalt  }
0x61: {  	_ =	shalt  }
0x62: {  	_ =	shalt  }
0x63: {  	_ =	shalt  }
0x64: {  	_ =	shalt  }
0x65: {  	_ =	shalt  }
0x66: {  	_ =	shalt  }
0x67: {  	_ =	shalt  }
0x68: {  	_ =	shalt  }
0x69: {  	_ =	shalt  }
0x6a: {  	_ =	shalt  }
0x6b: {  	_ =	shalt  }
0x6c: {  	_ =	shalt  }
0x6d: {  	_ =	shalt  }
0x6e: {  	_ =	shalt  }
0x6f: {  	_ =	shalt  }
0x70: {  	_ =	shalt  }
0x71: {  	_ =	shalt  }
0x72: {  	_ =	shalt  }
0x73: {  	_ =	shalt  }
0x74: {  	_ =	shalt  }
0x75: {  	_ =	shalt  }
0x76: {  	_ =	shalt  }
0x77: {  	_ =	shalt  }
0x78: {  	_ =	shalt  }
0x79: {  	_ =	shalt  }
0x7a: {  	_ =	shalt  }
0x7b: {  	_ =	shalt  }
0x7c: {  	_ =	shalt  }
0x7d: {  	_ =	shalt  }
0x7e: {  	_ =	shalt  }
0x7f: {  	_ =	shalt  }
0x80: {  	_ =	shalt  }
0x81: {  	_ =	shalt  }
0x82: {  	_ =	shalt  }
0x83: {  	_ =	shalt  }
0x84: {  	_ =	shalt  }
0x85: {  	_ =	shalt  }
0x86: {  	_ =	shalt  }
0x87: {  	_ =	shalt  }
.Lfunc_end0:
.L_simem_size_0:
called_computation_lowered:
.L_overlay_start_0:
0x88: {  	s2 =	sld [smem:$0x3FD9]  }
0x89: {  	s3 =	sld [smem:$0x3FFE];
	_ =	sdelay $0x1  }
0x8a: {  	s1 =	srdreg.scid  }
0x8b: {  	s0 =	sand.u32 $0x1, s1  }
0x8c: {  	s14 =	sshll.u32 s0, $0xA;
	s2 =	sadd.s32 s3, s2  }
0x8d: {  	s2 =	sadd.s32 s2, s14  }
0x8e: {  	[smem:$0x3FC6] =	sst s2  }
0x8f: {  	_ = 	snop  }
0x90: {  	s2 =	sld [smem:$0x3FD0];
	_ =	sdelay $0x2  }
0x91: {  	s4 =	simm.s32 $0xA;
	s5 =	simm.s32 $0x10;
	s15 =	sld [smem:$0x3FC9]  }
0x92: {  	[smem:s5], [sflag:s4] =	dma.local [hbm:s2], $0x1  }
0x93: {  	_ =	swait.eq [sflag:s4], $0x1  }
0x94: {  	[sflag:s4] =	ssyncset.done $0x0  }
0x95: {  	[sflag:s4] =	ssyncadd.s32 $0xFFFFFFFF  }
0x96: {  	s16 =	sld [smem:$0x12];
	(tm) =	ssettm $0x1  }
0x97: {  	s17 =	sld [smem:$0x3FFB];
	_ =	sdelay $0x3  }
0x98: {  	_ =	strace s17  }
0x99: {  	s4 =	sld [smem:$0x3FFC];
	_ =	sdelay $0x3  }
0x9a: {  	_ =	strace s4  }
0x9b: {  	s4 =	sld [smem:$0x3FFD];
	_ =	sdelay $0x3  }
0x9c: {  	_ =	strace s4  }
0x9d: {  	_ =	strace $0x8FFFFFFF  }
0x9e: {  	s18 =	sld [smem:$0x3FDB];
	_ =	sdelay $0x1  }
0x9f: {  	s19 =	simm.s32 $_scs_section_size  }
0xa0: {  	s6 =	simm.s32 $_size__tile_overlayer_lowered;
	s7 =	simm.s32 $_tile_overlayer_lowered  }
0xa1: {  	s22 =	simm.s32 $0x1BFF;
	s21 =	sshll.u32 s7, $0x1;
	s4 =	sadd.s32 s19, s18  }
0xa2: {  	s8 =	simm.s32 $0x0;
	s20 =	sshll.u32 s6, $0x1;
	s6 =	sadd.s32 s21, s4  }
0xa3: {  	[timem:s8], [sflag:s22] =	dma.local [hbm:s6], s20  }
0xa4: {  	_ =	swait.ge [sflag:s22], s20  }
0xa5: {  	s5 =	ssub.s32 $0x0, s20;
	[sflag:s22] =	ssyncset.done $0x0  }
0xa6: {  	[sflag:s22] =	ssyncadd.s32 s5;
	_ =	sdelay $0x1  }
0xa7: {  	s23 =	simm.s32 $0x1B8B  }
0xa8: {  	_ =	swait.ge [sflag:s23], $0x1  }
0xa9: {  	[sflag:s23] =	ssyncset.done $0x0  }
0xaa: {  	s25 =	simm.s32 $0x1B8E;
	s24 =	sld [smem:$0x3FFE];
	[sflag:s23] =	ssyncadd.s32 $0xFFFFFFFF  }
0xab: {  	s26 =	simm.s32 $execute0_lowered;
	[smem:$0x3FD2] =	sst s25  }
0xac: {  	s6 =	sshll.u32 s26, $0x1;
	_ =	strace $0x80000046;
	[dreg:$0x1] =	wrdreg $0xFFFFFFFF  }
0xad: {  	s28 =	simm.s32 $_size_execute0_lowered;
	s4 =	sadd.s32 s4, s6;
	[dreg:$0x0] =	wrdreg $0x0  }
0xae: {  	s6 =	sshll.u32 s28, $0x1;
	[dreg:$0x2] =	wrdreg s4  }
0xaf: {  	[dreg:$0x3] =	wrdreg s6  }
0xb0: {  	[dreg:$0x4] =	wrdreg $0xC0  }
0xb1: {  	_ =	task [dreg:s8], $0x5FFFF  }
0xb2: {  	[dreg:$0x1] =	wrdreg $0xFFFFFFFF  }
0xb3: {  	[dreg:$0x0] =	wrdreg $0x60  }
0xb4: {  	[dreg:$0x2] =	wrdreg s15  }
0xb5: {  	[dreg:$0x3] =	wrdreg s24  }
0xb6: {  	[dreg:$0x4] =	wrdreg s16  }
0xb7: {  	[dreg:$0x5] =	wrdreg $0x9  }
0xb8: {  	_ =	task.clear_ibuf [dreg:s8], $0x6FFFF;
	_ =	strace $0x90000046  }
0xb9: {  	s29 =	simm.s32 $0x9;
	_ =	strace $0x80000048  }
0xba: {  	_ =	swait.ge [sflag:s29], $0x1  }
0xbb: {  	[sflag:s29] =	ssyncadd.s32 $0xFFFFFFFF  }
0xbc: {  	_ =	strace $0x90000048  }
0xbd: {  	_ =	sfence  }
0xbe: {  	s30 =	sld [smem:$0x0];
	_ =	sdelay $0x2  }
0xbf: {  	s31 =	sshll.u32 s1, $0xD;
	s1 =	sshrl.u32 s1, $0x2  }
0xc0: {  	s3 =	sand.u32 $0x4000, s31;
	s1 =	sadd.s32 s1, s30  }
0xc1: {  	s0 =	sor.u32 s3, s0;
	s1 =	sshll.u32 s1, $0x11  }
0xc2: {  	s0 =	sor.u32 s1, s0  }
0xc3: {  	s0 =	sadd.s32 $0x8F2B, s0  }
0xc4: {  	[sflag:s0] =	ssyncadd.remote.s32 $0x1  }
0xc5: {  	_ =	sfence.sel $0xFFFF  }
0xc6: {  	[dreg:$0x0] =	wrdreg $0xFFFFFFFF;
	(pc) =	sbr.abs _section_cstart, $3  }
0xc7: {  	[dreg:$0x1] =	wrdreg $0xFFFFFFFF  }
0xc8: {  	_ =	task.clear_ibuf [dreg:s8], $0x2FFFF;
	_ =	strace $0x9FFFFFFF  }
0xc9: {  	(tm) =	ssettm $0x7FFFFFFF  }
tec
execute0_lowered:
.L_overlay_start_1:
0x0: {  	(tag) =	ssettag $0x1  }
0x1: {  	s1 =	rddreg [dreg:$0x0]  }
0x2: {  	s2 =	srdreg.scid;
	s4 =	rddreg [dreg:$0x1]  }
0x3: {  	s0 =	stileid.u32;
	s5 =	rddreg [dreg:$0x2];
	s3 =	simm.s32 $0x0  }
0x4: {  	s16 =	simm.s32 $0x880;
	s17 =	simm.s32 $0x1080;
	s18 =	simm.s32 $0x1880  }
0x5: {  	s19 =	simm.s32 $0x2080;
	s20 =	simm.s32 $0x2880;
	[smem:$0x7FF] =	sst s3  }
0x6: {  	s21 =	simm.s32 $0x3080;
	_ =	strace $0x80000047;
	[dreg:$0x6] =	wrdreg s16  }
0x7: {  	s23 =	simm.s32 $0x3880;
	s24 =	simm.s32 $0x4080;
	[dreg:$0x7] =	wrdreg s17  }
0x8: {  	s25 =	simm.s32 $0x4880;
	s8 =	simm.s32 $0x5080;
	[dreg:$0x8] =	wrdreg s18  }
0x9: {  	s9 =	simm.s32 $0x5880;
	s26 =	simm.s32 $0x6080;
	[dreg:$0x9] =	wrdreg s19  }
0xa: {  	s10 =	simm.s32 $0x80;
	s12 =	simm.s32 $0x7080;
	[dreg:$0xa] =	wrdreg s20  }
0xb: {  	s13 =	simm.s32 $0x7880;
	s14 =	simm.s32 $0x8080;
	[dreg:$0xb] =	wrdreg s21  }
0xc: {  	s15 =	simm.s32 $0x8880;
	s28 =	simm.s32 $0xE880;
	[dreg:$0xc] =	wrdreg s23  }
0xd: {  	s29 =	simm.s32 $0xF080;
	s30 =	simm.s32 $0xF880;
	[dreg:$0xd] =	wrdreg s24  }
0xe: {  	s31 =	simm.s32 $0x1;
	s2 =	sand.u32 $0x1, s2;
	[dreg:$0xe] =	wrdreg s25  }
0xf: {  	s6 =	sshll.u32 s0, $0x7;
	s7 =	sshll.u32 s2, $0x6;
	[dreg:$0xf] =	wrdreg s8  }
0x10: {  	s2 =	ssub.s32 $0x2, s2;
	[dreg:$0x10] =	wrdreg s9;
	s9 =	simm.s32 $0x3  }
0x11: {  	[dreg:$0x11] =	wrdreg s26;
	s16 =	simm.s32 $0x9080;
	s17 =	simm.s32 $0x9880  }
0x12: {  	s18 =	simm.s32 $0xA080;
	s19 =	simm.s32 $0xA880;
	s20 =	simm.s32 $0xB080  }
0x13: {  	s21 =	simm.s32 $0xB880;
	s23 =	simm.s32 $0xC880;
	s24 =	simm.s32 $0xD080  }
0x14: {  	s25 =	simm.s32 $0xD880;
	s26 =	simm.s32 $0xE080;
	s6 =	sor.u32 s7, s6  }
0x15: {  	s22 =	sshrl.u32 s2, $0x1;
	s7 =	sshrl.u32 s6, $0x3;
	s6 =	sshll.u32 s6, $0x7  }
0x16: {  	s2 =	ssub.s32 s2, s22;
	s22 =	simm.s32 $0xC080;
	s7 =	sadd.s32 s4, s7  }
0x17: {  	v2 =	vlaneseq.u32;
	s4 =	sadd.s32 s5, s6;
	s6 =	sadd.s32 $0x200, s1;
	s8 =	smax.u32 s2, $0x1  }
0x18: {  	vm0 =	vmmov $0xffff;
	v1 =	vshrl.u32 v2, $0x3;
	s2 =	simm.s32 $0x2;
	[dreg:$0x4] =	wrdreg s7;
	s5 =	sadd.s32 $0x1000, s4  }
0x19: {  	v0 =	vand.u32 $0x7, v2;
	v2 =	vor.u32 $0x8, v2;
	v1 =	vmul.u32 $0x8, v1;
	s7 =	sadd.s32 $0x300, s1;
	[dreg:$0x5] =	wrdreg s5;
	s5 =	sadd.s32 $0x100, s1  }
.LBB2_1:
0x1a: {  	s0 =	rddreg [dreg:$0x4]  }
0x1b: {  	[tilespmem:s3], [sflag:$0x3] =	stream.linear.gather [hbm4b:s0+s3], $0x40, $0x38;
	[tilespmem:$0x10080] =	vst v63  }
0x1c: {  	_ =	swait.ge [sflag:s9], $0x40  }
0x1d: {  	[sflag:s9] =	ssyncset.done $0x0  }
0x1e: {  	[sflag:s9] =	ssyncadd.s32 $0xFFFFFFC0  }
0x1f: {  	v3 =	vld [tilespmem:$0x0];
	_ =	sdelay $0x4  }
0x20: {  	v4 =	vshll.u32 v3, $0x3  }
0x21: {  	v3 =	vand.u32 $0x7, v3;
	v4 =	vand.u32 $0xFFFFFFC0, v4  }
0x22: {  	v3 =	vor.u32 v3, v4  }
0x23: {  	v4 =	vperm.xlane v3, v0;
	_ =	sdelay $0x1  }
0x24: {  	v4 =	vadd.s32 v1, v4;
	_ =	sdelay $0x4  }
0x25: {  	[tilespmem:s10], [sflag:$0x1] =	stream.indirect_vreg.gather [hbm4b:s1+s3], $0x80, v4, vm0, $0xb8;
	[tilespmem:$0x10080] =	vst v63  }
0x26: {  	s0 =	rddreg [dreg:$0x6];
	v3 =	vperm.xlane v3, v2  }
0x27: {  	[tilespmem:s0], [sflag:$0x1] =	stream.indirect_vreg.gather [hbm4b:s5+s3], $0x80, v4, vm0, $0xb8;
	[tilespmem:$0x10080] =	vst v63  }
0x28: {  	s11 =	rddreg [dreg:$0x7];
	v3 =	vadd.s32 v1, v3  }
0x29: {  	[tilespmem:s11], [sflag:$0x1] =	stream.indirect_vreg.gather [hbm4b:s6+s3], $0x80, v4, vm0, $0xb8;
	[tilespmem:$0x10080] =	vst v63  }
0x2a: {  	s0 =	rddreg [dreg:$0x8]  }
0x2b: {  	[tilespmem:s0], [sflag:$0x1] =	stream.indirect_vreg.gather [hbm4b:s7+s3], $0x80, v4, vm0, $0xb8;
	[tilespmem:$0x10080] =	vst v63  }
0x2c: {  	s11 =	rddreg [dreg:$0x9]  }
0x2d: {  	[tilespmem:s11], [sflag:$0x1] =	stream.indirect_vreg.gather [hbm4b:s1+s3], $0x80, v3, vm0, $0xb8;
	[tilespmem:$0x10080] =	vst v63  }
0x2e: {  	s0 =	rddreg [dreg:$0xa]  }
0x2f: {  	[tilespmem:s0], [sflag:$0x1] =	stream.indirect_vreg.gather [hbm4b:s5+s3], $0x80, v3, vm0, $0xb8;
	[tilespmem:$0x10080] =	vst v63  }
0x30: {  	s11 =	rddreg [dreg:$0xb]  }
0x31: {  	[tilespmem:s11], [sflag:$0x1] =	stream.indirect_vreg.gather [hbm4b:s6+s3], $0x80, v3, vm0, $0xb8;
	[tilespmem:$0x10080] =	vst v63  }
0x32: {  	s0 =	rddreg [dreg:$0xc]  }
0x33: {  	[tilespmem:s0], [sflag:$0x1] =	stream.indirect_vreg.gather [hbm4b:s7+s3], $0x80, v3, vm0, $0xb8;
	[tilespmem:$0x10080] =	vst v63  }
0x34: {  	v3 =	vld [tilespmem:$0x10];
	_ =	sdelay $0x4  }
0x35: {  	v61 =	vshll.u32 v3, $0x3  }
0x36: {  	v3 =	vand.u32 $0x7, v3;
	v4 =	vand.u32 $0xFFFFFFC0, v61  }
0x37: {  	v3 =	vor.u32 v3, v4  }
0x38: {  	v4 =	vperm.xlane v3, v0;
	_ =	sdelay $0x1  }
0x39: {  	v4 =	vadd.s32 v1, v4;
	_ =	sdelay $0x3  }
0x3a: {  	s0 =	rddreg [dreg:$0xd]  }
0x3b: {  	[tilespmem:s0], [sflag:$0x1] =	stream.indirect_vreg.gather [hbm4b:s1+s3], $0x80, v4, vm0, $0xb8;
	[tilespmem:$0x10080] =	vst v63  }
0x3c: {  	s11 =	rddreg [dreg:$0xe];
	v3 =	vperm.xlane v3, v2  }
0x3d: {  	[tilespmem:s11], [sflag:$0x1] =	stream.indirect_vreg.gather [hbm4b:s5+s3], $0x80, v4, vm0, $0xb8;
	[tilespmem:$0x10080] =	vst v63  }
0x3e: {  	v3 =	vadd.s32 v1, v3;
	s0 =	rddreg [dreg:$0xf]  }
0x3f: {  	[tilespmem:s0], [sflag:$0x1] =	stream.indirect_vreg.gather [hbm4b:s6+s3], $0x80, v4, vm0, $0xb8;
	[tilespmem:$0x10080] =	vst v63  }
0x40: {  	s11 =	rddreg [dreg:$0x10]  }
0x41: {  	[tilespmem:s11], [sflag:$0x1] =	stream.indirect_vreg.gather [hbm4b:s7+s3], $0x80, v4, vm0, $0xb8;
	[tilespmem:$0x10080] =	vst v63  }
0x42: {  	s0 =	rddreg [dreg:$0x11]  }
0x43: {  	[tilespmem:s0], [sflag:$0x1] =	stream.indirect_vreg.gather [hbm4b:s1+s3], $0x80, v3, vm0, $0xb8;
	[tilespmem:$0x10080] =	vst v63  }
0x44: {  	s11 =	simm.s32 $0x6880  }
0x45: {  	[tilespmem:s11], [sflag:$0x1] =	stream.indirect_vreg.gather [hbm4b:s5+s3], $0x80, v3, vm0, $0xb8;
	[tilespmem:$0x10080] =	vst v63  }
0x46: {  	_ = 	snop  }
0x47: {  	[tilespmem:s12], [sflag:$0x1] =	stream.indirect_vreg.gather [hbm4b:s6+s3], $0x80, v3, vm0, $0xb8;
	[tilespmem:$0x10080] =	vst v63  }
0x48: {  	_ = 	snop  }
0x49: {  	[tilespmem:s13], [sflag:$0x1] =	stream.indirect_vreg.gather [hbm4b:s7+s3], $0x80, v3, vm0, $0xb8;
	[tilespmem:$0x10080] =	vst v63  }
0x4a: {  	v3 =	vld [tilespmem:$0x20];
	_ =	sdelay $0x4  }
0x4b: {  	v62 =	vshll.u32 v3, $0x3  }
0x4c: {  	v3 =	vand.u32 $0x7, v3;
	v4 =	vand.u32 $0xFFFFFFC0, v62  }
0x4d: {  	v3 =	vor.u32 v3, v4  }
0x4e: {  	v4 =	vperm.xlane v3, v0;
	_ =	sdelay $0x1  }
0x4f: {  	v4 =	vadd.s32 v1, v4;
	_ =	sdelay $0x4  }
0x50: {  	[tilespmem:s14], [sflag:$0x1] =	stream.indirect_vreg.gather [hbm4b:s1+s3], $0x80, v4, vm0, $0xb8;
	[tilespmem:$0x10080] =	vst v63  }
0x51: {  	v3 =	vperm.xlane v3, v2  }
0x52: {  	[tilespmem:s15], [sflag:$0x1] =	stream.indirect_vreg.gather [hbm4b:s5+s3], $0x80, v4, vm0, $0xb8;
	[tilespmem:$0x10080] =	vst v63  }
0x53: {  	v3 =	vadd.s32 v1, v3  }
0x54: {  	[tilespmem:s16], [sflag:$0x1] =	stream.indirect_vreg.gather [hbm4b:s6+s3], $0x80, v4, vm0, $0xb8;
	[tilespmem:$0x10080] =	vst v63  }
0x55: {  	_ = 	snop  }
0x56: {  	[tilespmem:s17], [sflag:$0x1] =	stream.indirect_vreg.gather [hbm4b:s7+s3], $0x80, v4, vm0, $0xb8;
	[tilespmem:$0x10080] =	vst v63  }
0x57: {  	_ = 	snop  }
0x58: {  	[tilespmem:s18], [sflag:$0x1] =	stream.indirect_vreg.gather [hbm4b:s1+s3], $0x80, v3, vm0, $0xb8;
	[tilespmem:$0x10080] =	vst v63  }
0x59: {  	_ = 	snop  }
0x5a: {  	[tilespmem:s19], [sflag:$0x1] =	stream.indirect_vreg.gather [hbm4b:s5+s3], $0x80, v3, vm0, $0xb8;
	[tilespmem:$0x10080] =	vst v63  }
0x5b: {  	_ = 	snop  }
0x5c: {  	[tilespmem:s20], [sflag:$0x1] =	stream.indirect_vreg.gather [hbm4b:s6+s3], $0x80, v3, vm0, $0xb8;
	[tilespmem:$0x10080] =	vst v63  }
0x5d: {  	_ = 	snop  }
0x5e: {  	[tilespmem:s21], [sflag:$0x1] =	stream.indirect_vreg.gather [hbm4b:s7+s3], $0x80, v3, vm0, $0xb8;
	[tilespmem:$0x10080] =	vst v63  }
0x5f: {  	v3 =	vld [tilespmem:$0x30];
	_ =	sdelay $0x4  }
0x60: {  	v63 =	vshll.u32 v3, $0x3  }
0x61: {  	v3 =	vand.u32 $0x7, v3;
	v4 =	vand.u32 $0xFFFFFFC0, v63  }
0x62: {  	v3 =	vor.u32 v3, v4  }
0x63: {  	v4 =	vperm.xlane v3, v0;
	_ =	sdelay $0x1  }
0x64: {  	v4 =	vadd.s32 v1, v4;
	_ =	sdelay $0x4  }
0x65: {  	[tilespmem:s22], [sflag:$0x1] =	stream.indirect_vreg.gather [hbm4b:s1+s3], $0x80, v4, vm0, $0xb8;
	[tilespmem:$0x10080] =	vst v63  }
0x66: {  	v3 =	vperm.xlane v3, v2  }
0x67: {  	[tilespmem:s23], [sflag:$0x1] =	stream.indirect_vreg.gather [hbm4b:s5+s3], $0x80, v4, vm0, $0xb8;
	[tilespmem:$0x10080] =	vst v63  }
0x68: {  	v3 =	vadd.s32 v1, v3  }
0x69: {  	[tilespmem:s24], [sflag:$0x1] =	stream.indirect_vreg.gather [hbm4b:s6+s3], $0x80, v4, vm0, $0xb8;
	[tilespmem:$0x10080] =	vst v63  }
0x6a: {  	_ = 	snop  }
0x6b: {  	[tilespmem:s25], [sflag:$0x1] =	stream.indirect_vreg.gather [hbm4b:s7+s3], $0x80, v4, vm0, $0xb8;
	[tilespmem:$0x10080] =	vst v63  }
0x6c: {  	_ = 	snop  }
0x6d: {  	[tilespmem:s26], [sflag:$0x1] =	stream.indirect_vreg.gather [hbm4b:s1+s3], $0x80, v3, vm0, $0xb8;
	[tilespmem:$0x10080] =	vst v63  }
0x6e: {  	_ = 	snop  }
0x6f: {  	[tilespmem:s28], [sflag:$0x1] =	stream.indirect_vreg.gather [hbm4b:s5+s3], $0x80, v3, vm0, $0xb8;
	[tilespmem:$0x10080] =	vst v63  }
0x70: {  	_ = 	snop  }
0x71: {  	[tilespmem:s29], [sflag:$0x1] =	stream.indirect_vreg.gather [hbm4b:s6+s3], $0x80, v3, vm0, $0xb8;
	[tilespmem:$0x10080] =	vst v63  }
0x72: {  	_ = 	snop  }
0x73: {  	[tilespmem:s30], [sflag:$0x1] =	stream.indirect_vreg.gather [hbm4b:s7+s3], $0x80, v3, vm0, $0xb8;
	[tilespmem:$0x10080] =	vst v63  }
0x74: {  	_ =	swait.ge [sflag:s31], $0x8000  }
0x75: {  	[sflag:s31] =	ssyncset.done $0x0  }
0x76: {  	[sflag:s31] =	ssyncadd.s32 $0xFFFF8000  }
0x77: {  	[hbm4b:s4+s3] =	stream.linear.scatter [tilespmem:s10], [sflag:$0x2], $0x8000, $0x38;
	[tilespmem:$0x10080] =	vst v63  }
0x78: {  	_ =	swait.ge [sflag:s31], $0x8000  }
0x79: {  	[sflag:s31] =	ssyncset.done $0x0  }
0x7a: {  	s11 =	rddreg [dreg:$0x5];
	[sflag:s31] =	ssyncadd.s32 $0xFFFF8000  }
0x7b: {  	[hbm4b:s11+s3] =	stream.linear.scatter [tilespmem:s14], [sflag:$0x2], $0x8000, $0x38;
	[tilespmem:$0x10080] =	vst v63  }
0x7c: {  	p0 =	sne.s32 s8, $0x1;
	_ =	swait.ge [sflag:s2], $0x8000  }
.Ltmp0:
0x7d: {  	[sflag:s2] =	ssyncset.done $0x0;
	(pc) =	sbr.rel @p0 .LBB2_1-.Ltmp0, $4  }
0x7e: {  	[sflag:s2] =	ssyncadd.s32 $0xFFFF8000  }
0x7f: {  	_ =	swait.ge [sflag:s2], $0x8000  }
0x80: {  	[sflag:s2] =	ssyncset.done $0x0  }
0x81: {  	s8 =	sadd.s32 $0xFFFFFFFF, s8;
	[sflag:s2] =	ssyncadd.s32 $0xFFFF8000  }
0x82: {  	_ =	sfence.sel $0x180000  }
0x83: {  	[bflag:$0x0] =	sbarrier.arrive $0xFFFF  }
0x84: {  	_ =	strace $0x90000047  }
0x85: {  	s0 =	stileid.u32;
	[bflag:$0x2] =	sbarrier.arrive $0xFFFF  }
0x86: {  	p0 =	sne.s32 s0, $0x0;
	s0 =	rddreg [dreg:$0x3]  }
0x87: {  	s0 =	sadd.s32 @!p0 $0x100000, s0  }
0x88: {  	[sflag:s0] =	ssyncadd.tile.s32 @!p0 $0x1;
	_ =	shalt  }
.Lfunc_end2:
_tile_overlayer_lowered:
.L_overlay_start_2:
0x89: {  	(tag) =	ssettag $0x2  }
0x8a: {  	s0 =	rddreg [dreg:$0x0];
	s2 =	stileid.u32  }
0x8b: {  	s1 =	rddreg [dreg:$0x1];
	p0 =	sne.s32 s2, $0x0  }
0x8c: {  	s3 =	rddreg [dreg:$0x2];
	[bflag:$0x3] =	sbarrier.arrive $0xFFFF;
	s2 =	simm.s32 @!p0 $0x1C03  }
0x8d: {  	[timem:s3], [sflag:s2] =	dma.local @!p0 [hbm:s0], s1  }
0x8e: {  	s0 =	simm.s32 @!p0 $0x3  }
0x8f: {  	_ =	swait.ge @!p0 [sflag:s0], s1  }
0x90: {  	s1 =	ssub.s32 @!p0 $0x0, s1;
	[sflag:s0] =	ssyncset.done @!p0 $0x0  }
0x91: {  	[sflag:s0] =	ssyncadd.s32 @!p0 s1  }
0x92: {  	[bflag:$0x3] =	sbarrier.arrive $0xFFFF  }
0x93: {  	_ =	shalt  }

</sc_bundles>
